<compile_context>
chip_gen: v7x
topology: tpu7x:2x2x1
jax: 0.10.2.dev20260603
libtpu: 0.0.44.dev20260713+nightly
codegen_flags: <defaults>
</compile_context>

<pallas_src>
import functools

import jax
import jax.numpy as jnp
from jax import lax
from jax.experimental import pallas as pl
from jax.experimental.pallas import tpu as pltpu
from jax.experimental.pallas import tpu_sc as plsc

DIM_BATCH = 16
WIDTH_ENC = 4096
LANES = 16


def _frames_body(x_hbm, r_hbm, lens_hbm, out_hbm, out2_hbm, z_v, lens_v, out_v, sem):
    b = lax.axis_index("s")

    cp_l = pltpu.async_copy(lens_hbm, lens_v, sem)
    cp_x = pltpu.async_copy(x_hbm.at[b], z_v.at[pl.ds(0, WIDTH_ENC)], sem)
    cp_r = pltpu.async_copy(r_hbm.at[b], z_v.at[pl.ds(WIDTH_ENC, WIDTH_ENC)], sem)
    cp_l.wait()
    cp_x.wait()
    cp_r.wait()

    lane = lax.broadcasted_iota(jnp.int32, (LANES,), 0)
    base = plsc.load_gather(lens_v, [jnp.full((LANES,), b, jnp.int32)])
    base = base + lane

    @plsc.parallel_loop(0, WIDTH_ENC // LANES, unroll=8)
    def _(i):
        out_v[pl.ds(i * LANES, LANES)] = plsc.load_gather(z_v, [base + i * LANES])

    pltpu.sync_copy(out_v, out_hbm.at[b])

    @pl.when(b == 0)
    def _():
        pltpu.sync_copy(lens_v, out2_hbm.at[0])


@jax.jit
def _frames_sc(x, ragged_dense, lens):
    mesh = plsc.VectorSubcoreMesh(
        core_axis_name="c", subcore_axis_name="s", num_cores=1
    )
    run = functools.partial(
        pl.kernel,
        mesh=mesh,
        out_type=(
            jax.ShapeDtypeStruct((DIM_BATCH, WIDTH_ENC), jnp.float32),
            jax.ShapeDtypeStruct((1, DIM_BATCH), jnp.int32),
        ),
        scratch_types=[
            pltpu.VMEM((2 * WIDTH_ENC,), jnp.float32),
            pltpu.VMEM((LANES,), jnp.int32),
            pltpu.VMEM((WIDTH_ENC,), jnp.float32),
            pltpu.SemaphoreType.DMA,
        ],
        compiler_params=pltpu.CompilerParams(
            needs_layout_passes=False,
            disable_bounds_checks=True,
            skip_device_barrier=True,
        ),
    )(_frames_body)
    return run(x, ragged_dense, lens)


def kernel(x, ragged_dense, lens):
    y, l2 = _frames_sc(x, ragged_dense, lens)
    return y, l2.reshape(DIM_BATCH, 1)

# --- scband reference (transcript-rebuilt; emitter-appended) ---
"""Pipeline reference for scband-frames-32779190403127 (READ-ONLY COPY).

The authoritative reference and input builder live on the scoring server;
editing this copy changes nothing except your own understanding.
"""

import jax, jax.numpy as jnp
import numpy as np

DIM_BATCH = 16
WIDTH_ENC = 4096

def setup_inputs(seed: int = 0) -> dict:
    key = jax.random.key(seed)
    k1, k2, k3 = jax.random.split(key, 3)
    x = jax.random.normal(k1, (DIM_BATCH, WIDTH_ENC), dtype=jnp.float32)
    ragged_dense = jax.random.normal(k2, (DIM_BATCH, WIDTH_ENC), dtype=jnp.float32)
    lens = jax.random.randint(k3, (DIM_BATCH,), 0, WIDTH_ENC, dtype=jnp.int32)
    return {"x": x, "ragged_dense": ragged_dense, "lens": lens}

def reference(x, ragged_dense, lens):
    # Faithful port of Frames.append:
    #   y_concat[b] = concat(x[b, :width_enc], ragged[b, :len_b])  (ragged row)
    #   y[b, j]     = y_concat[b, j + len_b]   for j in [0, width_enc)
    # i.e. a per-row sliding-frame shift: take x[b, j+len_b] while in the dense
    # prefix, else ragged[b, j+len_b-width_enc].
    B, We = x.shape
    j = jnp.arange(We, dtype=jnp.int32)[None, :]              # [1, We]
    pos = j + lens[:, None].astype(jnp.int32)                 # [B, We]
    from_x = pos < We
    idx_x = jnp.clip(pos, 0, We - 1)                          # valid where from_x
    idx_r = jnp.clip(pos - We, 0, We - 1)                     # valid where ~from_x (pos-We < len_b)
    gx = jnp.take_along_axis(x, idx_x, axis=1)
    gr = jnp.take_along_axis(ragged_dense, idx_r, axis=1)
    y = jnp.where(from_x, gx, gr)                             # [B, We]
    return y, lens[:, None]

if __name__ == "__main__":
    import jax
    _d = setup_inputs()
    print(jax.jit(kernel)(*tuple(_d.values())))

</pallas_src>

<mosaic_0001>
#map = affine_map<(d0, d1) -> (0, 0)>
#map1 = affine_map<(d0, d1) -> (0)>
module attributes {stable_mosaic.version = 14 : i64} {
  func.func @_frames_body(%arg0: i32, %arg1: i32, %arg2: memref<16x4096xf32, #tpu.memory_space<hbm>>, %arg3: memref<16x4096xf32, #tpu.memory_space<hbm>>, %arg4: memref<16xi32, #tpu.memory_space<hbm>>, %arg5: memref<16x4096xf32, #tpu.memory_space<hbm>>, %arg6: memref<1x16xi32, #tpu.memory_space<hbm>>, %arg7: memref<8192xf32, #tpu.memory_space<vmem>>, %arg8: memref<16xi32, #tpu.memory_space<vmem>>, %arg9: memref<4096xf32, #tpu.memory_space<vmem>>, %arg10: memref<!tpu.dma_semaphore, #tpu.memory_space<semaphore_mem>>) attributes {dimension_semantics = [#tpu.dimension_semantics<core_parallel>, #tpu.dimension_semantics<subcore_parallel>], iteration_bounds = array<i64: 1, 16>, scalar_prefetch = 0 : i64, scratch_operands = 4 : i64, tpu.core_type = #tpu.core_type<sc_vector_subcore>, window_params = [{transform_indices = #map}, {transform_indices = #map}, {transform_indices = #map1}, {transform_indices = #map}, {transform_indices = #map}]} {
    tpu.enqueue_dma source(%arg4 : memref<16xi32, #tpu.memory_space<hbm>>) target(%arg8 : memref<16xi32, #tpu.memory_space<vmem>>) target_semaphore(%arg10 : memref<!tpu.dma_semaphore, #tpu.memory_space<semaphore_mem>>)
    %dma_start3A = arith.constant 0 : i32
    %dma_start3A_0 = tpu.memref_slice %arg7[%dma_start3A] : memref<8192xf32, #tpu.memory_space<vmem>> -> memref<4096xf32, #tpu.memory_space<vmem>>
    %dma_start3A_1 = arith.constant 0 : i32
    %dma_start3A_2 = tpu.memref_slice %arg2[%arg1, %dma_start3A_1] : memref<16x4096xf32, #tpu.memory_space<hbm>> -> memref<1x4096xf32, #tpu.memory_space<hbm>>
    %dma_start3A_3 = tpu.memref_squeeze %dma_start3A_2 : memref<1x4096xf32, #tpu.memory_space<hbm>> -> memref<4096xf32, #tpu.memory_space<hbm>>
    %dma_start3A_4 = arith.constant 0 : i32
    %dma_start3A_5 = tpu.memref_slice %arg7[%dma_start3A_4] : memref<8192xf32, #tpu.memory_space<vmem>> -> memref<4096xf32, #tpu.memory_space<vmem>>
    %dma_start3A_6 = arith.constant 0 : i32
    %dma_start3A_7 = tpu.memref_slice %arg2[%arg1, %dma_start3A_6] : memref<16x4096xf32, #tpu.memory_space<hbm>> -> memref<1x4096xf32, #tpu.memory_space<hbm>>
    %dma_start3A_8 = tpu.memref_squeeze %dma_start3A_7 : memref<1x4096xf32, #tpu.memory_space<hbm>> -> memref<4096xf32, #tpu.memory_space<hbm>>
    tpu.enqueue_dma source(%dma_start3A_8 : memref<4096xf32, #tpu.memory_space<hbm>>) target(%dma_start3A_5 : memref<4096xf32, #tpu.memory_space<vmem>>) target_semaphore(%arg10 : memref<!tpu.dma_semaphore, #tpu.memory_space<semaphore_mem>>)
    %dma_start3A_9 = arith.constant 4096 : i32
    %dma_start3A_10 = tpu.memref_slice %arg7[%dma_start3A_9] : memref<8192xf32, #tpu.memory_space<vmem>> -> memref<4096xf32, #tpu.memory_space<vmem>>
    %dma_start3A_11 = arith.constant 0 : i32
    %dma_start3A_12 = tpu.memref_slice %arg3[%arg1, %dma_start3A_11] : memref<16x4096xf32, #tpu.memory_space<hbm>> -> memref<1x4096xf32, #tpu.memory_space<hbm>>
    %dma_start3A_13 = tpu.memref_squeeze %dma_start3A_12 : memref<1x4096xf32, #tpu.memory_space<hbm>> -> memref<4096xf32, #tpu.memory_space<hbm>>
    %dma_start3A_14 = arith.constant 4096 : i32
    %dma_start3A_15 = tpu.memref_slice %arg7[%dma_start3A_14] : memref<8192xf32, #tpu.memory_space<vmem>> -> memref<4096xf32, #tpu.memory_space<vmem>>
    %dma_start3A_16 = arith.constant 0 : i32
    %dma_start3A_17 = tpu.memref_slice %arg3[%arg1, %dma_start3A_16] : memref<16x4096xf32, #tpu.memory_space<hbm>> -> memref<1x4096xf32, #tpu.memory_space<hbm>>
    %dma_start3A_18 = tpu.memref_squeeze %dma_start3A_17 : memref<1x4096xf32, #tpu.memory_space<hbm>> -> memref<4096xf32, #tpu.memory_space<hbm>>
    tpu.enqueue_dma source(%dma_start3A_18 : memref<4096xf32, #tpu.memory_space<hbm>>) target(%dma_start3A_15 : memref<4096xf32, #tpu.memory_space<vmem>>) target_semaphore(%arg10 : memref<!tpu.dma_semaphore, #tpu.memory_space<semaphore_mem>>)
    tpu.wait_dma2 semaphore(%arg10 : memref<!tpu.dma_semaphore, #tpu.memory_space<semaphore_mem>>) src(%arg4 : memref<16xi32, #tpu.memory_space<hbm>>) dst(%arg8 : memref<16xi32, #tpu.memory_space<vmem>>)
    %dma_wait3A = arith.constant 0 : i32
    %dma_wait3A_19 = tpu.memref_slice %arg7[%dma_wait3A] : memref<8192xf32, #tpu.memory_space<vmem>> -> memref<4096xf32, #tpu.memory_space<vmem>>
    %dma_wait3A_20 = arith.constant 0 : i32
    %dma_wait3A_21 = tpu.memref_slice %arg2[%arg1, %dma_wait3A_20] : memref<16x4096xf32, #tpu.memory_space<hbm>> -> memref<1x4096xf32, #tpu.memory_space<hbm>>
    %dma_wait3A_22 = tpu.memref_squeeze %dma_wait3A_21 : memref<1x4096xf32, #tpu.memory_space<hbm>> -> memref<4096xf32, #tpu.memory_space<hbm>>
    %dma_wait3A_23 = arith.constant 0 : i32
    %dma_wait3A_24 = tpu.memref_slice %arg7[%dma_wait3A_23] : memref<8192xf32, #tpu.memory_space<vmem>> -> memref<4096xf32, #tpu.memory_space<vmem>>
    %dma_wait3A_25 = arith.constant 0 : i32
    %dma_wait3A_26 = tpu.memref_slice %arg2[%arg1, %dma_wait3A_25] : memref<16x4096xf32, #tpu.memory_space<hbm>> -> memref<1x4096xf32, #tpu.memory_space<hbm>>
    %dma_wait3A_27 = tpu.memref_squeeze %dma_wait3A_26 : memref<1x4096xf32, #tpu.memory_space<hbm>> -> memref<4096xf32, #tpu.memory_space<hbm>>
    tpu.wait_dma2 semaphore(%arg10 : memref<!tpu.dma_semaphore, #tpu.memory_space<semaphore_mem>>) src(%dma_wait3A_27 : memref<4096xf32, #tpu.memory_space<hbm>>) dst(%dma_wait3A_24 : memref<4096xf32, #tpu.memory_space<vmem>>)
    %dma_wait3A_28 = arith.constant 4096 : i32
    %dma_wait3A_29 = tpu.memref_slice %arg7[%dma_wait3A_28] : memref<8192xf32, #tpu.memory_space<vmem>> -> memref<4096xf32, #tpu.memory_space<vmem>>
    %dma_wait3A_30 = arith.constant 0 : i32
    %dma_wait3A_31 = tpu.memref_slice %arg3[%arg1, %dma_wait3A_30] : memref<16x4096xf32, #tpu.memory_space<hbm>> -> memref<1x4096xf32, #tpu.memory_space<hbm>>
    %dma_wait3A_32 = tpu.memref_squeeze %dma_wait3A_31 : memref<1x4096xf32, #tpu.memory_space<hbm>> -> memref<4096xf32, #tpu.memory_space<hbm>>
    %dma_wait3A_33 = arith.constant 4096 : i32
    %dma_wait3A_34 = tpu.memref_slice %arg7[%dma_wait3A_33] : memref<8192xf32, #tpu.memory_space<vmem>> -> memref<4096xf32, #tpu.memory_space<vmem>>
    %dma_wait3A_35 = arith.constant 0 : i32
    %dma_wait3A_36 = tpu.memref_slice %arg3[%arg1, %dma_wait3A_35] : memref<16x4096xf32, #tpu.memory_space<hbm>> -> memref<1x4096xf32, #tpu.memory_space<hbm>>
    %dma_wait3A_37 = tpu.memref_squeeze %dma_wait3A_36 : memref<1x4096xf32, #tpu.memory_space<hbm>> -> memref<4096xf32, #tpu.memory_space<hbm>>
    tpu.wait_dma2 semaphore(%arg10 : memref<!tpu.dma_semaphore, #tpu.memory_space<semaphore_mem>>) src(%dma_wait3A_37 : memref<4096xf32, #tpu.memory_space<hbm>>) dst(%dma_wait3A_34 : memref<4096xf32, #tpu.memory_space<vmem>>)
    %iota3A = tpu.iota {dimensions = array<i32: 0>} : vector<16xi32>
    %broadcast_in_dim3A = vector.broadcast %arg1 : i32 to vector<16xi32>
    %gather3A = tpu.vector_load_idx %arg8[%broadcast_in_dim3A] : memref<16xi32, #tpu.memory_space<vmem>>[vector<16xi32>], vector<16xi32>,
    %add3A = arith.addi %gather3A, %iota3A : vector<16xi32>
    %parallel_loop3A = arith.constant 0 : i32
    %parallel_loop3A_38 = arith.constant 256 : i32
    %parallel_loop3A_39 = arith.constant 1 : i32
    scf.for %parallel_loop3A_42 = %parallel_loop3A to %parallel_loop3A_38 step %parallel_loop3A_39  : i32 {
      %parallel_loop3A_43 = arith.constant 16 : i32
      %parallel_loop3A_44 = arith.muli %parallel_loop3A_42, %parallel_loop3A_43 : i32
      %parallel_loop3A_45 = vector.broadcast %parallel_loop3A_44 : i32 to vector<16xi32>
      %parallel_loop3A_46 = arith.addi %add3A, %parallel_loop3A_45 : vector<16xi32>
      %parallel_loop3A_47 = tpu.vector_load_idx %arg7[%parallel_loop3A_46] : memref<8192xf32, #tpu.memory_space<vmem>>[vector<16xi32>], vector<16xf32>,
      %parallel_loop3A_48 = arith.constant 16 : i32
      %parallel_loop3A_49 = arith.muli %parallel_loop3A_42, %parallel_loop3A_48 : i32
      %parallel_loop3A_50 = arith.index_cast %parallel_loop3A_49 : i32 to index
      %parallel_loop3A_51 = tpu.vector_load %arg9[%parallel_loop3A_50] {strides = array<i32>} : memref<4096xf32, #tpu.memory_space<vmem>>, vector<16xf32>,
      tpu.vector_store %arg9[%parallel_loop3A_50], %parallel_loop3A_47 {strides = array<i32>} : memref<4096xf32, #tpu.memory_space<vmem>>, vector<16xf32>,
    } {sc.loop_unroll_factor = 8 : i64, sc.parallel_access}
    "tpu.region"() ({
      %run_scoped3A = tpu.sem_alloc : memref<!tpu.dma_semaphore, #tpu.memory_space<semaphore_mem>>
      %dma_start3A_42 = arith.constant 0 : i32
      %dma_start3A_43 = tpu.memref_slice %arg5[%arg1, %dma_start3A_42] : memref<16x4096xf32, #tpu.memory_space<hbm>> -> memref<1x4096xf32, #tpu.memory_space<hbm>>
      %dma_start3A_44 = tpu.memref_squeeze %dma_start3A_43 : memref<1x4096xf32, #tpu.memory_space<hbm>> -> memref<4096xf32, #tpu.memory_space<hbm>>
      %dma_start3A_45 = arith.constant 0 : i32
      %dma_start3A_46 = tpu.memref_slice %arg5[%arg1, %dma_start3A_45] : memref<16x4096xf32, #tpu.memory_space<hbm>> -> memref<1x4096xf32, #tpu.memory_space<hbm>>
      %dma_start3A_47 = tpu.memref_squeeze %dma_start3A_46 : memref<1x4096xf32, #tpu.memory_space<hbm>> -> memref<4096xf32, #tpu.memory_space<hbm>>
      tpu.enqueue_dma source(%arg9 : memref<4096xf32, #tpu.memory_space<vmem>>) target(%dma_start3A_47 : memref<4096xf32, #tpu.memory_space<hbm>>) target_semaphore(%run_scoped3A : memref<!tpu.dma_semaphore, #tpu.memory_space<semaphore_mem>>)
      %dma_wait3A_48 = arith.constant 0 : i32
      %dma_wait3A_49 = tpu.memref_slice %arg5[%arg1, %dma_wait3A_48] : memref<16x4096xf32, #tpu.memory_space<hbm>> -> memref<1x4096xf32, #tpu.memory_space<hbm>>
      %dma_wait3A_50 = tpu.memref_squeeze %dma_wait3A_49 : memref<1x4096xf32, #tpu.memory_space<hbm>> -> memref<4096xf32, #tpu.memory_space<hbm>>
      %dma_wait3A_51 = arith.constant 0 : i32
      %dma_wait3A_52 = tpu.memref_slice %arg5[%arg1, %dma_wait3A_51] : memref<16x4096xf32, #tpu.memory_space<hbm>> -> memref<1x4096xf32, #tpu.memory_space<hbm>>
      %dma_wait3A_53 = tpu.memref_squeeze %dma_wait3A_52 : memref<1x4096xf32, #tpu.memory_space<hbm>> -> memref<4096xf32, #tpu.memory_space<hbm>>
      tpu.wait_dma2 semaphore(%run_scoped3A : memref<!tpu.dma_semaphore, #tpu.memory_space<semaphore_mem>>) src(%arg9 : memref<4096xf32, #tpu.memory_space<vmem>>) dst(%dma_wait3A_53 : memref<4096xf32, #tpu.memory_space<hbm>>)
      tpu.yield
    }) : () -> ()
    %eq3A = arith.constant 0 : i32
    %eq3A_40 = arith.cmpi eq, %arg1, %eq3A : i32
    %convert_element_type3A = arith.extui %eq3A_40 : i1 to i32
    %cond3A = arith.constant 0 : i32
    %cond3A_41 = arith.cmpi ne, %convert_element_type3A, %cond3A : i32
    scf.if %cond3A_41 {
      %run_scoped3A = arith.constant 0 : i32
      "tpu.region"() ({
        %run_scoped3A_42 = tpu.sem_alloc : memref<!tpu.dma_semaphore, #tpu.memory_space<semaphore_mem>>
        %dma_start3A_43 = arith.constant 0 : i32
        %dma_start3A_44 = tpu.memref_slice %arg6[%run_scoped3A, %dma_start3A_43] : memref<1x16xi32, #tpu.memory_space<hbm>> -> memref<1x16xi32, #tpu.memory_space<hbm>>
        %dma_start3A_45 = tpu.memref_squeeze %dma_start3A_44 : memref<1x16xi32, #tpu.memory_space<hbm>> -> memref<16xi32, #tpu.memory_space<hbm>>
        %dma_start3A_46 = arith.constant 0 : i32
        %dma_start3A_47 = tpu.memref_slice %arg6[%run_scoped3A, %dma_start3A_46] : memref<1x16xi32, #tpu.memory_space<hbm>> -> memref<1x16xi32, #tpu.memory_space<hbm>>
        %dma_start3A_48 = tpu.memref_squeeze %dma_start3A_47 : memref<1x16xi32, #tpu.memory_space<hbm>> -> memref<16xi32, #tpu.memory_space<hbm>>
        tpu.enqueue_dma source(%arg8 : memref<16xi32, #tpu.memory_space<vmem>>) target(%dma_start3A_48 : memref<16xi32, #tpu.memory_space<hbm>>) target_semaphore(%run_scoped3A_42 : memref<!tpu.dma_semaphore, #tpu.memory_space<semaphore_mem>>)
        %dma_wait3A_49 = arith.constant 0 : i32
        %dma_wait3A_50 = tpu.memref_slice %arg6[%run_scoped3A, %dma_wait3A_49] : memref<1x16xi32, #tpu.memory_space<hbm>> -> memref<1x16xi32, #tpu.memory_space<hbm>>
        %dma_wait3A_51 = tpu.memref_squeeze %dma_wait3A_50 : memref<1x16xi32, #tpu.memory_space<hbm>> -> memref<16xi32, #tpu.memory_space<hbm>>
        %dma_wait3A_52 = arith.constant 0 : i32
        %dma_wait3A_53 = tpu.memref_slice %arg6[%run_scoped3A, %dma_wait3A_52] : memref<1x16xi32, #tpu.memory_space<hbm>> -> memref<1x16xi32, #tpu.memory_space<hbm>>
        %dma_wait3A_54 = tpu.memref_squeeze %dma_wait3A_53 : memref<1x16xi32, #tpu.memory_space<hbm>> -> memref<16xi32, #tpu.memory_space<hbm>>
        tpu.wait_dma2 semaphore(%run_scoped3A_42 : memref<!tpu.dma_semaphore, #tpu.memory_space<semaphore_mem>>) src(%arg8 : memref<16xi32, #tpu.memory_space<vmem>>) dst(%dma_wait3A_54 : memref<16xi32, #tpu.memory_space<hbm>>)
        tpu.yield
      }) : () -> ()
    } else {
    }
    return
  }
}

</mosaic_0001>

<sc_bundles>
// kernel: _frames_sc.3.cloned.1.call-start
scs
__scs_entry_jumppad:
0x0: {  	(pc) =	sbr.rel $0x88, $3  }
0x1: {  	(tag) =	ssettag $0x0;
	lr =	simm.s32 $0x1  }
0x2: {  	[smem:$0x3F9E] =	sst lr;
	_ =	strace $0xD0000000  }
0x3: {  	_ = 	snop  }
0x4: {  	_ = 	snop  }
0x5: {  	_ = 	snop  }
0x6: {  	_ = 	snop  }
0x7: {  	_ = 	snop  }
__scs_overlays_trampoline_lowered:
0x8: {  	[smem:$0x3FAD] =	sst s0  }
0x9: {  	[smem:$0x3FAE] =	sst s1  }
0xa: {  	[smem:$0x3FAF] =	sst s2  }
0xb: {  	[smem:$0x3FB0] =	sst s3  }
0xc: {  	[smem:$0x3FB1] =	sst s4  }
0xd: {  	[smem:$0x3FB2] =	sst s5  }
0xe: {  	[smem:$0x3FB3] =	sst s6  }
0xf: {  	[smem:$0x3FB4] =	sst s7  }
0x10: {  	[smem:$0x3FB5] =	sst s8  }
0x11: {  	[smem:$0x3FB6] =	sst s9;
	s0 =	simm.s32 @!p0 $0x0  }
0x12: {  	s1 =	sld [smem:$0x3F9C];
	s0 =	simm.s32 @p0 $0x1  }
0x13: {  	[smem:$0x3FB7] =	sst s0;
	s0 =	simm.s32 @!p1 $0x0  }
0x14: {  	s2 =	sld [smem:$0x3F9B];
	s0 =	simm.s32 @p1 $0x1  }
0x15: {  	[smem:$0x3FB8] =	sst s0;
	s0 =	simm.s32 @!p2 $0x0  }
0x16: {  	s3 =	sld [smem:$0x3FDB];
	s0 =	simm.s32 @p2 $0x1  }
0x17: {  	s4 =	simm.s32 $0x1BF5;
	[smem:$0x3FBA] =	sst s0  }
0x18: {  	s0 =	sld [smem:$0x3F9D];
	_ =	swait.ge [sflag:s4], $0x0  }
0x19: {  	s7 =	sld [smem:$0x3F9E]  }
0x1a: {  	s8 =	sadd.s32 $0xFFFFE003, lr  }
0x1b: {  	s9 =	sadd.s32 $0xFFFFFEF7, lr;
	s5 =	simm.s32 $0xFFFFFFFF;
	p2 =	slt.u32 s8, $0xFFFFF086  }
0x1c: {  	p1 =	slt.u32 s9, $0xF7A;
	s5 =	simm.s32 @!p2 $0x0  }
0x1d: {  	s5 =	simm.s32 @p1 $0x1;
	p0 =	seq.s32 s7, s2  }
0x1e: {  	s7 =	smul.u32 @!p0 $0xF7A, s2;
	p2 =	seq.s32 @!p0 s5, $0x0  }
0x1f: {  	s9 =	smul.u32 $0xF7A, s1;
	s8 =	simm.s32 @!p0 $0x1BF5;
	p2 =	por !p2, p0  }
0x20: {  	[sflag:s8] =	ssyncset.s32 @!p0 $0xFFFFF086;
	s6 =	sadd.s32 @!p0 s3, s7;
	s7 =	simm.s32 @!p0 $0x108  }
0x21: {  	s3 =	sadd.s32 s3, s9;
	s6 =	sadd.s32 @!p0 $0x88, s6;
	s7 =	simm.s32 @p2 $0x1082  }
0x22: {  	[simem:s7], [sflag:s8] =	dma.local @!p0 [hbm:s6], $0xF7A  }
0x23: {  	s9 =	sor.u32 $0xD0000000, s2;
	s6 =	simm.s32 $0x108;
	_ =	swait.ge @!p0 [sflag:s8], $0x0  }
0x24: {  	s3 =	sadd.s32 $0x88, s3;
	s6 =	simm.s32 @!p1 $0x1082;
	[sflag:s4] =	ssyncset.s32 $0xFFFFF086  }
0x25: {  	[simem:s6], [sflag:s4] =	dma.local [hbm:s3], $0xF7A  }
0x26: {  	[smem:$0x3F9E] =	sst s1;
	(tag) =	ssettag s2;
	_ =	strace s9  }
0x27: {  	s1 =	sld [smem:$0x3FAE]  }
0x28: {  	s2 =	sld [smem:$0x3FAF]  }
0x29: {  	s4 =	sld [smem:$0x3FB1]  }
0x2a: {  	p0 =	seq.s32 s5, $0x0;
	s5 =	sld [smem:$0x3FB2]  }
0x2b: {  	s6 =	sld [smem:$0x3FB3]  }
0x2c: {  	s7 =	sld [smem:$0x3FB4]  }
0x2d: {  	s3 =	simm.s32 $0x108;
	s8 =	sld [smem:$0x3FB5]  }
0x2e: {  	s3 =	simm.s32 @!p0 $0x1082;
	s9 =	sld [smem:$0x3FB6]  }
0x2f: {  	lr =	sadd.s32 s0, s3;
	s0 =	sld [smem:$0x3FAD]  }
0x30: {  	s3 =	sld [smem:$0x3FB0]  }
0x31: {  	[smem:$0x3FB9] =	sst s10  }
0x32: {  	s10 =	sld [smem:$0x3FB7];
	_ =	sdelay $0x3  }
0x33: {  	p0 =	seq.s32 s10, $0x1;
	s10 =	sld [smem:$0x3FB9];
	_ =	sdelay $0x3  }
0x34: {  	[smem:$0x3FB9] =	sst s10  }
0x35: {  	s10 =	sld [smem:$0x3FB8];
	_ =	sdelay $0x3  }
0x36: {  	p1 =	seq.s32 s10, $0x1;
	s10 =	sld [smem:$0x3FB9];
	_ =	sdelay $0x3  }
0x37: {  	[smem:$0x3FB9] =	sst s10  }
0x38: {  	s10 =	sld [smem:$0x3FBA]  }
0x39: {  	_ = 	snop;
	(pc) =	sbr.ind lr, $3  }
0x3a: {  	_ = 	snop  }
0x3b: {  	_ = 	snop  }
0x3c: {  	p2 =	seq.s32 s10, $0x1;
	s10 =	sld [smem:$0x3FB9]  }
0x3d: {  	_ =	shalt  }
0x3e: {  	_ =	shalt  }
0x3f: {  	_ =	shalt  }
0x40: {  	_ =	shalt  }
0x41: {  	_ =	shalt  }
0x42: {  	_ =	shalt  }
0x43: {  	_ =	shalt  }
0x44: {  	_ =	shalt  }
0x45: {  	_ =	shalt  }
0x46: {  	_ =	shalt  }
0x47: {  	_ =	shalt  }
0x48: {  	_ =	shalt  }
0x49: {  	_ =	shalt  }
0x4a: {  	_ =	shalt  }
0x4b: {  	_ =	shalt  }
0x4c: {  	_ =	shalt  }
0x4d: {  	_ =	shalt  }
0x4e: {  	_ =	shalt  }
0x4f: {  	_ =	shalt  }
0x50: {  	_ =	shalt  }
0x51: {  	_ =	shalt  }
0x52: {  	_ =	shalt  }
0x53: {  	_ =	shalt  }
0x54: {  	_ =	shalt  }
0x55: {  	_ =	shalt  }
0x56: {  	_ =	shalt  }
0x57: {  	_ =	shalt  }
0x58: {  	_ =	shalt  }
0x59: {  	_ =	shalt  }
0x5a: {  	_ =	shalt  }
0x5b: {  	_ =	shalt  }
0x5c: {  	_ =	shalt  }
0x5d: {  	_ =	shalt  }
0x5e: {  	_ =	shalt  }
0x5f: {  	_ =	shalt  }
0x60: {  	_ =	shalt  }
0x61: {  	_ =	shalt  }
0x62: {  	_ =	shalt  }
0x63: {  	_ =	shalt  }
0x64: {  	_ =	shalt  }
0x65: {  	_ =	shalt  }
0x66: {  	_ =	shalt  }
0x67: {  	_ =	shalt  }
0x68: {  	_ =	shalt  }
0x69: {  	_ =	shalt  }
0x6a: {  	_ =	shalt  }
0x6b: {  	_ =	shalt  }
0x6c: {  	_ =	shalt  }
0x6d: {  	_ =	shalt  }
0x6e: {  	_ =	shalt  }
0x6f: {  	_ =	shalt  }
0x70: {  	_ =	shalt  }
0x71: {  	_ =	shalt  }
0x72: {  	_ =	shalt  }
0x73: {  	_ =	shalt  }
0x74: {  	_ =	shalt  }
0x75: {  	_ =	shalt  }
0x76: {  	_ =	shalt  }
0x77: {  	_ =	shalt  }
0x78: {  	_ =	shalt  }
0x79: {  	_ =	shalt  }
0x7a: {  	_ =	shalt  }
0x7b: {  	_ =	shalt  }
0x7c: {  	_ =	shalt  }
0x7d: {  	_ =	shalt  }
0x7e: {  	_ =	shalt  }
0x7f: {  	_ =	shalt  }
0x80: {  	_ =	shalt  }
0x81: {  	_ =	shalt  }
0x82: {  	_ =	shalt  }
0x83: {  	_ =	shalt  }
0x84: {  	_ =	shalt  }
0x85: {  	_ =	shalt  }
0x86: {  	_ =	shalt  }
0x87: {  	_ =	shalt  }
.Lfunc_end0:
.L_simem_size_0:
called_computation_lowered:
.L_overlay_start_0:
0x88: {  	s0 =	sld [smem:$0x3FD9]  }
0x89: {  	s1 =	sld [smem:$0x3FFE];
	_ =	sdelay $0x3  }
0x8a: {  	s0 =	sadd.s32 s1, s0  }
0x8b: {  	[smem:$0x3FC5] =	sst s0  }
0x8c: {  	_ = 	snop  }
0x8d: {  	s0 =	sld [smem:$0x3FD0]  }
0x8e: {  	s14 =	sld [smem:$0x3FC9]  }
0x8f: {  	s2 =	sld [smem:$0x3FC8]  }
0x90: {  	s4 =	simm.s32 $0xA;
	s5 =	simm.s32 $0x10;
	s3 =	sld [smem:$0x3FC7]  }
0x91: {  	[smem:s5], [sflag:s4] =	dma.local [hbm:s0], $0x1  }
0x92: {  	_ =	swait.eq [sflag:s4], $0x1  }
0x93: {  	[sflag:s4] =	ssyncset.done $0x0  }
0x94: {  	s15 =	sld [smem:$0x10];
	[sflag:s4] =	ssyncadd.s32 $0xFFFFFFFF  }
0x95: {  	s16 =	sld [smem:$0x11];
	(tm) =	ssettm $0x1  }
0x96: {  	s17 =	sld [smem:$0x3FFB];
	_ =	sdelay $0x3  }
0x97: {  	_ =	strace s17  }
0x98: {  	s5 =	sld [smem:$0x3FFC];
	_ =	sdelay $0x3  }
0x99: {  	_ =	strace s5  }
0x9a: {  	s5 =	sld [smem:$0x3FFD];
	_ =	sdelay $0x3  }
0x9b: {  	_ =	strace s5  }
0x9c: {  	_ =	strace $0x8FFFFFFF  }
0x9d: {  	s18 =	sld [smem:$0x3FDB];
	_ =	sdelay $0x1  }
0x9e: {  	s6 =	simm.s32 $_scs_section_size  }
0x9f: {  	s7 =	simm.s32 $_size__tile_overlayer_lowered;
	s8 =	simm.s32 $_tile_overlayer_lowered  }
0xa0: {  	s21 =	simm.s32 $0x1BFF;
	s20 =	sshll.u32 s8, $0x1;
	s5 =	sadd.s32 s6, s18  }
0xa1: {  	s9 =	simm.s32 $0x0;
	s19 =	sshll.u32 s7, $0x1;
	s7 =	sadd.s32 s20, s5  }
0xa2: {  	[timem:s9], [sflag:s21] =	dma.local [hbm:s7], s19  }
0xa3: {  	_ =	swait.ge [sflag:s21], s19  }
0xa4: {  	s6 =	ssub.s32 $0x0, s19;
	[sflag:s21] =	ssyncset.done $0x0  }
0xa5: {  	[sflag:s21] =	ssyncadd.s32 s6;
	_ =	sdelay $0x1  }
0xa6: {  	s22 =	simm.s32 $0x1B8B  }
0xa7: {  	_ =	swait.ge [sflag:s22], $0x1  }
0xa8: {  	[sflag:s22] =	ssyncset.done $0x0  }
0xa9: {  	s23 =	simm.s32 $0x1B8E;
	[sflag:s22] =	ssyncadd.s32 $0xFFFFFFFF  }
0xaa: {  	s24 =	simm.s32 $execute0_lowered;
	[smem:$0x3FD2] =	sst s23  }
0xab: {  	s6 =	sshll.u32 s24, $0x1;
	_ =	strace $0x80000046;
	[dreg:$0x1] =	wrdreg $0xFFFFFFFF  }
0xac: {  	s25 =	simm.s32 $_size_execute0_lowered;
	s5 =	sadd.s32 s5, s6;
	[dreg:$0x0] =	wrdreg $0x0  }
0xad: {  	s6 =	sshll.u32 s25, $0x1;
	[dreg:$0x2] =	wrdreg s5  }
0xae: {  	[dreg:$0x3] =	wrdreg s6  }
0xaf: {  	[dreg:$0x4] =	wrdreg $0xC0  }
0xb0: {  	_ =	task [dreg:s9], $0x5FFFF  }
0xb1: {  	[dreg:$0x1] =	wrdreg $0xFFFFFFFF  }
0xb2: {  	[dreg:$0x0] =	wrdreg $0x60  }
0xb3: {  	[dreg:$0x2] =	wrdreg s14  }
0xb4: {  	[dreg:$0x3] =	wrdreg s2  }
0xb5: {  	[dreg:$0x4] =	wrdreg s3  }
0xb6: {  	[dreg:$0x5] =	wrdreg s15  }
0xb7: {  	[dreg:$0x6] =	wrdreg s16  }
0xb8: {  	[dreg:$0x7] =	wrdreg $0x9  }
0xb9: {  	_ =	task.clear_ibuf [dreg:s9], $0x8FFFF;
	_ =	strace $0x90000046  }
0xba: {  	s26 =	simm.s32 $0x9;
	_ =	strace $0x80000048  }
0xbb: {  	_ =	swait.ge [sflag:s26], $0x1  }
0xbc: {  	[sflag:s26] =	ssyncadd.s32 $0xFFFFFFFF  }
0xbd: {  	_ =	strace $0x90000048  }
0xbe: {  	_ =	sfence  }
0xbf: {  	s28 =	sld [smem:$0x0];
	_ =	sdelay $0x1  }
0xc0: {  	s29 =	srdreg.scid  }
0xc1: {  	s30 =	sshll.u32 s29, $0xD;
	s31 =	sshrl.u32 s29, $0x2  }
0xc2: {  	s1 =	sand.u32 $0x1, s29;
	s2 =	sand.u32 $0x4000, s30;
	s0 =	sadd.s32 s31, s28  }
0xc3: {  	s1 =	sor.u32 s2, s1;
	s0 =	sshll.u32 s0, $0x11  }
0xc4: {  	s0 =	sor.u32 s0, s1  }
0xc5: {  	s0 =	sadd.s32 $0x8F2B, s0  }
0xc6: {  	[sflag:s0] =	ssyncadd.remote.s32 $0x1  }
0xc7: {  	_ =	sfence.sel $0xFFFF  }
0xc8: {  	[dreg:$0x0] =	wrdreg $0xFFFFFFFF;
	(pc) =	sbr.abs _section_cstart, $3  }
0xc9: {  	[dreg:$0x1] =	wrdreg $0xFFFFFFFF  }
0xca: {  	_ =	task.clear_ibuf [dreg:s9], $0x2FFFF;
	_ =	strace $0x9FFFFFFF  }
0xcb: {  	(tm) =	ssettm $0x7FFFFFFF  }
tec
execute0_lowered:
.L_overlay_start_1:
0x0: {  	(tag) =	ssettag $0x1  }
0x1: {  	s6 =	rddreg [dreg:$0x0]  }
0x2: {  	s7 =	rddreg [dreg:$0x1]  }
0x3: {  	s8 =	rddreg [dreg:$0x2]  }
0x4: {  	s3 =	rddreg [dreg:$0x3]  }
0x5: {  	s1 =	rddreg [dreg:$0x4]  }
0x6: {  	s0 =	rddreg [dreg:$0x5];
	s2 =	stileid.u32  }
0x7: {  	s5 =	simm.s32 $0x0;
	s4 =	sshll.u32 s2, $0x9;
	s9 =	sshll.u32 s2, $0x4  }
0x8: {  	[smem:$0x7FF] =	sst s5;
	s4 =	sor.u32 s9, s4  }
0x9: {  	s31 =	simm.s32 $0x2000;
	_ =	strace $0x80000047;
	s4 =	sand.u32 $0x1070, s4  }
0xa: {  	[tilespmem:s31], [sflag:$0x1] =	stream.linear.gather [hbm4b:s8+s5], $0x80, $0x38;
	[tilespmem:$0x3080] =	vst v63  }
0xb: {  	s11 =	simm.s32 $0x80;
	s10 =	simm.s32 $0x400;
	s6 =	sadd.s32 s6, s4  }
0xc: {  	[tilespmem:s5], [sflag:$0x1] =	stream.strided.gather [hbm4b:s6+s11], $0x1000, s10, s11, $0x38;
	[tilespmem:$0x3080] =	vst v63  }
0xd: {  	s13 =	simm.s32 $0x1000;
	s14 =	simm.s32 $0x1;
	s12 =	sadd.s32 s7, s4  }
0xe: {  	[tilespmem:s13], [sflag:$0x1] =	stream.strided.gather [hbm4b:s12+s11], $0x1000, s10, s11, $0x38;
	[tilespmem:$0x3080] =	vst v63  }
0xf: {  	_ =	swait.ge [sflag:s14], $0x80  }
0x10: {  	[sflag:s14] =	ssyncset.done $0x0  }
0x11: {  	[sflag:s14] =	ssyncadd.s32 $0xFFFFFF80  }
0x12: {  	_ =	swait.ge [sflag:s14], $0x1000  }
0x13: {  	v0 =	vmov s2;
	[sflag:s14] =	ssyncset.done $0x0  }
0x14: {  	[sflag:s14] =	ssyncadd.s32 $0xFFFFF000  }
0x15: {  	_ =	swait.ge [sflag:s14], $0x1000  }
0x16: {  	[sflag:s14] =	ssyncset.done $0x0  }
0x17: {  	[sflag:s14] =	ssyncadd.s32 $0xFFFFF000  }
0x18: {  	v0 =	vld.idx.msk [tilespmem:v0+s31+$0x0], $0xffff;
	_ =	sdelay $0x3  }
0x19: {  	v1 =	vlaneseq.u32  }
0x1a: {  	s16 =	simm.s32 $0x60;
	v0 =	vadd.s32 v1, v0  }
0x1b: {  	s17 =	simm.s32 $0x10;
	v2 =	vadd.s32 s16, v0  }
0x1c: {  	s18 =	simm.s32 $0x20;
	v3 =	vadd.s32 s17, v0  }
0x1d: {  	s19 =	simm.s32 $0x0;
	v4 =	vadd.s32 s18, v0  }
0x1e: {  	s20 =	simm.s32 $0x30;
	v5 =	vadd.s32 s19, v0  }
0x1f: {  	s21 =	simm.s32 $0x40;
	v6 =	vadd.s32 s20, v0  }
0x20: {  	s22 =	simm.s32 $0x50;
	v7 =	vadd.s32 s21, v0;
	v2 =	vld.idx.msk [tilespmem:v2+s5+$0x0], $0xffff  }
0x21: {  	s23 =	simm.s32 $0xF0;
	v8 =	vadd.s32 s22, v0;
	v3 =	vld.idx.msk [tilespmem:v3+s5+$0x0], $0xffff  }
0x22: {  	s15 =	simm.s32 $0x70;
	v10 =	vadd.s32 s23, v0;
	v4 =	vld.idx.msk [tilespmem:v4+s5+$0x0], $0xffff  }
0x23: {  	s25 =	simm.s32 $0x90;
	v1 =	vadd.s32 s15, v0;
	v5 =	vld.idx.msk [tilespmem:v5+s5+$0x0], $0xffff  }
0x24: {  	s24 =	simm.s32 $0xE0;
	v12 =	vadd.s32 s25, v0;
	v13 =	vld.idx.msk [tilespmem:v6+s5+$0x0], $0xffff  }
0x25: {  	s26 =	simm.s32 $0xA0;
	s6 =	simm.s32 $0x20C0;
	v11 =	vadd.s32 s24, v0;
	v15 =	vld.idx.msk [tilespmem:v7+s5+$0x0], $0xffff  }
0x26: {  	s31 =	simm.s32 $0x80;
	v14 =	vadd.s32 s26, v0;
	v9 =	vld.idx.msk [tilespmem:v8+s5+$0x0], $0xffff;
	[tilespmem:s6+$0x20] =	vst v2  }
0x27: {  	s28 =	simm.s32 $0xB0;
	[tilespmem:s6+$0xFFFFFFD0] =	vst v3;
	v2 =	vld.idx.msk [tilespmem:v10+s5+$0x0], $0xffff;
	v10 =	vadd.s32 s31, v0  }
0x28: {  	s29 =	simm.s32 $0xC0;
	v1 =	vld.idx.msk [tilespmem:v1+s5+$0x0], $0xffff;
	[tilespmem:s6+$0xFFFFFFC0] =	vst v5;
	v5 =	vadd.s32 s28, v0  }
0x29: {  	s30 =	simm.s32 $0xD0;
	v6 =	vadd.s32 s29, v0;
	v7 =	vld.idx.msk [tilespmem:v12+s5+$0x0], $0xffff;
	[tilespmem:s6+$0xFFFFFFE0] =	vst v4  }
0x2a: {  	v3 =	vld.idx.msk [tilespmem:v11+s5+$0x0], $0xffff;
	[tilespmem:s6+$0xFFFFFFF0] =	vst v13;
	v4 =	vadd.s32 s30, v0  }
0x2b: {  	s8 =	simm.s32 $0x170;
	s7 =	simm.s32 $0x8;
	v8 =	vld.idx.msk [tilespmem:v14+s5+$0x0], $0xffff;
	[tilespmem:s6+$0x0] =	vst v15  }
.LBB2_1:
0x2c: {  	s9 =	sadd.s32 $0xFFFFFFA0, s8;
	s10 =	sadd.s32 $0xFFFFFFF0, s8;
	v11 =	vadd.s32 s8, v0;
	s7 =	sadd.s32 $0x8, s7;
	v12 =	vld.idx.msk [tilespmem:v10+s5+$0x0], $0xffff;
	[tilespmem:s6+$0x10] =	vst v9  }
0x2d: {  	s11 =	sadd.s32 $0xFFFFFFC0, s8;
	v13 =	vadd.s32 s9, v0;
	s9 =	sadd.s32 $0xFFFFFFB0, s8;
	v14 =	vadd.s32 s10, v0;
	p0 =	slt.u32 s7, $0xF8;
	v15 =	vld.idx.msk [tilespmem:v5+s5+$0x0], $0xffff;
	[tilespmem:s6+$0x30] =	vst v1  }
0x2e: {  	v5 =	vadd.s32 s11, v0;
	s10 =	sadd.s32 $0xFFFFFFE0, s8;
	s6 =	sadd.s32 $0x80, s6;
	v1 =	vmov v2;
	v16 =	vadd.s32 s9, v0;
	s9 =	sadd.s32 $0xFFFFFFD0, s8;
	v17 =	vld.idx.msk [tilespmem:v6+s5+$0x0], $0xffff  }
0x2f: {  	s11 =	sadd.s32 $0xFFFFFF90, s8;
	v6 =	vadd.s32 s9, v0;
	v9 =	vld.idx.msk [tilespmem:v4+s5+$0x0], $0xffff;
	v4 =	vadd.s32 s10, v0;
	[tilespmem:s6+$0x20] =	vst v3  }
.Ltmp0:
0x30: {  	v10 =	vadd.s32 s11, v0;
	[tilespmem:s6+$0xFFFFFFD0] =	vst v7;
	(pc) =	sbr.rel @p0 .LBB2_1-.Ltmp0, $4  }
0x31: {  	v2 =	vld.idx.msk [tilespmem:v11+s5+$0x0], $0xffff;
	[tilespmem:s6+$0xFFFFFFE0] =	vst v8  }
0x32: {  	v3 =	vld.idx.msk [tilespmem:v14+s5+$0x0], $0xffff;
	[tilespmem:s6+$0xFFFFFFC0] =	vst v12  }
0x33: {  	v7 =	vld.idx.msk [tilespmem:v13+s5+$0x0], $0xffff;
	[tilespmem:s6+$0xFFFFFFF0] =	vst v15  }
0x34: {  	s8 =	sadd.s32 $0x80, s8;
	v8 =	vld.idx.msk [tilespmem:v16+s5+$0x0], $0xffff;
	[tilespmem:s6+$0x0] =	vst v17  }
0x35: {  	_ =	sdelay $0x2  }
0x36: {  	[tilespmem:s6+$0x10] =	vst v9  }
0x37: {  	v0 =	vld.idx.msk [tilespmem:v10+s5+$0x0], $0xffff;
	[tilespmem:s6+$0x30] =	vst v1;
	s26 =	sadd.s32 $0x80, s6  }
0x38: {  	v5 =	vld.idx.msk [tilespmem:v5+s5+$0x0], $0xffff;
	[tilespmem:s26+$0x30] =	vst v2  }
0x39: {  	v62 =	vld.idx.msk [tilespmem:v6+s5+$0x0], $0xffff;
	[tilespmem:s26+$0x20] =	vst v3  }
0x3a: {  	v63 =	vld.idx.msk [tilespmem:v4+s5+$0x0], $0xffff;
	[tilespmem:s26+$0xFFFFFFD0] =	vst v7  }
0x3b: {  	[tilespmem:s26+$0xFFFFFFE0] =	vst v8  }
0x3c: {  	[tilespmem:s26+$0xFFFFFFC0] =	vst v0  }
0x3d: {  	[tilespmem:s26+$0xFFFFFFF0] =	vst v5  }
0x3e: {  	s3 =	sadd.s32 s3, s4;
	s28 =	simm.s32 $0x80;
	[tilespmem:s26+$0x0] =	vst v62  }
0x3f: {  	s29 =	simm.s32 $0x400;
	s30 =	simm.s32 $0x2080;
	s31 =	simm.s32 $0x2;
	[tilespmem:s26+$0x10] =	vst v63  }
0x40: {  	[hbm4b:s3+s28] =	stream.strided.scatter [tilespmem:s30], [sflag:$0x2], $0x1000, s29, s28, $0x38;
	[tilespmem:$0x3080] =	vst v63  }
0x41: {  	_ =	swait.ge [sflag:s31], $0x1000  }
0x42: {  	[sflag:s31] =	ssyncset.done $0x0  }
0x43: {  	p0 =	sne.s32 s2, $0x0;
	[sflag:s31] =	ssyncadd.s32 $0xFFFFF000  }
0x44: {  	_ =	sfence.sel @p0 $0x180000  }
0x45: {  	[bflag:$0x0] =	sbarrier.arrive @p0 $0xFFFF  }
0x46: {  	_ =	strace @p0 $0x90000047  }
0x47: {  	s2 =	simm.s32 @!p0 $0x0;
	s3 =	simm.s32 @!p0 $0x2000;
	[bflag:$0x2] =	sbarrier.arrive @p0 $0xFFFF  }
0x48: {  	[hbm4b:s1+s2] =	stream.linear.scatter @!p0 [tilespmem:s3], [sflag:$0x2], $0x80, $0x38;
	[tilespmem:$0x3080] =	vst v63  }
0x49: {  	s1 =	simm.s32 @!p0 $0x2  }
0x4a: {  	_ =	swait.ge @!p0 [sflag:s1], $0x80  }
0x4b: {  	[sflag:s1] =	ssyncset.done @!p0 $0x0  }
0x4c: {  	[sflag:s1] =	ssyncadd.s32 @!p0 $0xFFFFFF80  }
0x4d: {  	_ =	sfence.sel @!p0 $0x180000  }
0x4e: {  	[bflag:$0x0] =	sbarrier.arrive @!p0 $0xFFFF  }
0x4f: {  	_ =	strace @!p0 $0x90000047  }
0x50: {  	s0 =	sadd.s32 @!p0 $0x100000, s0;
	[bflag:$0x2] =	sbarrier.arrive @!p0 $0xFFFF  }
0x51: {  	[sflag:s0] =	ssyncadd.tile.s32 @!p0 $0x1;
	_ =	shalt  }
.Lfunc_end2:
_tile_overlayer_lowered:
.L_overlay_start_2:
0x52: {  	(tag) =	ssettag $0x2  }
0x53: {  	s0 =	rddreg [dreg:$0x0];
	s2 =	stileid.u32  }
0x54: {  	s1 =	rddreg [dreg:$0x1];
	p0 =	sne.s32 s2, $0x0  }
0x55: {  	s3 =	rddreg [dreg:$0x2];
	[bflag:$0x3] =	sbarrier.arrive $0xFFFF;
	s2 =	simm.s32 @!p0 $0x1C02  }
0x56: {  	[timem:s3], [sflag:s2] =	dma.local @!p0 [hbm:s0], s1  }
0x57: {  	s0 =	simm.s32 @!p0 $0x2  }
0x58: {  	_ =	swait.ge @!p0 [sflag:s0], s1  }
0x59: {  	s1 =	ssub.s32 @!p0 $0x0, s1;
	[sflag:s0] =	ssyncset.done @!p0 $0x0  }
0x5a: {  	[sflag:s0] =	ssyncadd.s32 @!p0 s1  }
0x5b: {  	[bflag:$0x3] =	sbarrier.arrive $0xFFFF  }
0x5c: {  	_ =	shalt  }

</sc_bundles>
